<compile_context>
chip_gen: v7x
topology: tpu7x:2x2x1
jax: 0.10.2.dev20260603
libtpu: 0.0.44.dev20260713+nightly
codegen_flags: <defaults>
</compile_context>

<pallas_src>
import functools

import jax
import jax.numpy as jnp
from jax import lax
from jax.experimental import pallas as pl
from jax.experimental.pallas import tpu as pltpu
from jax.experimental.pallas import tpu_sc as plsc

_NC = 2
_NS = 16
_NW = _NC * _NS
_CH = 128
_LANES = 16


def _deg_body(n_pad, per_w, tail, dst_hbm, out_hbm,
              idx_v, ones_v, zeros_v, deg_sh):
    c = lax.axis_index("c")
    s = lax.axis_index("s")
    wid = c * _NS + s
    tile_slice = n_pad // _NS

    ones16 = jnp.ones((_LANES,), jnp.float32)
    zeros16 = jnp.zeros((_LANES,), jnp.float32)
    for i in range(_CH // _LANES):
        ones_v[pl.ds(i * _LANES, _LANES)] = ones16
    for i in range(tile_slice // _LANES):
        zeros_v[pl.ds(i * _LANES, _LANES)] = zeros16

    pltpu.sync_copy(zeros_v, deg_sh.at[pl.ds(s * tile_slice, tile_slice)])

    @pl.when(wid < _NW - 1)
    def _stage_full():
        pltpu.sync_copy(dst_hbm.at[1, pl.ds(wid * per_w * _CH, per_w * _CH)],
                        idx_v)

    @pl.when(wid == _NW - 1)
    def _stage_tail():
        pltpu.sync_copy(
            dst_hbm.at[1, pl.ds((_NW - 1) * per_w * _CH, tail * _CH)],
            idx_v.at[pl.ds(0, tail * _CH)])

    plsc.subcore_barrier()

    def chunk(j, carry):
        pltpu.sync_copy(ones_v, deg_sh.at[idx_v.at[pl.ds(j * _CH, _CH)]],
                        add=True)
        return carry

    n_my = jnp.where(wid < _NW - 1, per_w, tail)
    lax.fori_loop(0, n_my, chunk, 0)
    plsc.subcore_barrier()

    pltpu.sync_copy(
        deg_sh.at[pl.ds(s * tile_slice, tile_slice)],
        out_hbm.at[c, pl.ds(s * tile_slice, tile_slice)],
    )


def _degree_counts(edge_index, n_pad):
    n_edges = edge_index.shape[1]
    n_chunks = n_edges // _CH
    per_w = (-(-n_chunks // _NW) + 7) // 8 * 8
    tail = n_chunks - (_NW - 1) * per_w

    mesh = plsc.VectorSubcoreMesh(core_axis_name="c", subcore_axis_name="s")
    call = pl.kernel(
        functools.partial(_deg_body, n_pad, per_w, tail),
        out_type=jax.ShapeDtypeStruct((_NC, n_pad), jnp.float32),
        mesh=mesh,
        scratch_types=[
            pltpu.VMEM((per_w * _CH,), jnp.int32),
            pltpu.VMEM((_CH,), jnp.float32),
            pltpu.VMEM((n_pad // _NS,), jnp.float32),
            pltpu.VMEM_SHARED((n_pad,), jnp.float32),
        ],
    )
    return call(edge_index)


def _dense_body(n_nodes, x_ref, w_ref, b_ref, deg_ref, o_ref):
    y = jnp.dot(x_ref[...], w_ref[...], preferred_element_type=jnp.float32)
    y = jnp.maximum(y + b_ref[...], 0.0)
    deg = jnp.sum(deg_ref[...], axis=0)
    deg = deg.reshape(-1, 1)[:n_nodes]
    o_ref[...] = jnp.where(deg > 0.0, y, 0.0)


def kernel(x, p_t, edge_index, edge_weights, W_value, b_value):
    n_nodes, _ = x.shape
    out_ch = W_value.shape[1]
    n_pad = -(-n_nodes // (_NS * _LANES)) * (_NS * _LANES)

    deg2 = _degree_counts(edge_index, n_pad)

    out = pl.pallas_call(
        functools.partial(_dense_body, n_nodes),
        out_shape=jax.ShapeDtypeStruct((n_nodes, out_ch), jnp.float32),
    )(x, W_value, b_value.reshape(1, -1), deg2)
    return out

# --- scband reference (transcript-rebuilt; emitter-appended) ---
"""Pipeline reference for scband-raindrop-v2-24086176596194 (READ-ONLY COPY).

The authoritative reference and input builder live on the scoring server;
editing this copy changes nothing except your own understanding.
"""

import jax, jax.numpy as jnp
import numpy as np

N_NODES = 10000
N_EDGES = 320000
IN_CH = 128
OUT_CH = 128
HEADS = 1


def setup_inputs(seed: int = 0) -> dict:
    key = jax.random.key(seed)
    ks = jax.random.split(key, 6)
    x = jax.random.normal(ks[0], (N_NODES, IN_CH), dtype=jnp.float32)
    p_t = jax.random.normal(ks[1], (32, 16), dtype=jnp.float32)
    edge_index = jax.random.randint(ks[2], (2, N_EDGES), 0, N_NODES, dtype=jnp.int32)
    edge_weights = jax.random.uniform(ks[3], (N_EDGES,), dtype=jnp.float32)
    # lin_value parameters (torch Linear default init: U(-1/sqrt(fan_in), 1/sqrt(fan_in)))
    lim = 1.0 / np.sqrt(IN_CH)
    W_value = jax.random.uniform(ks[4], (IN_CH, HEADS * OUT_CH), minval=-lim, maxval=lim, dtype=jnp.float32)
    b_value = jax.random.uniform(ks[5], (HEADS * OUT_CH,), minval=-lim, maxval=lim, dtype=jnp.float32)
    return {"x": x, "p_t": p_t, "edge_index": edge_index, "edge_weights": edge_weights,
            "W_value": W_value, "b_value": b_value}


def _segment_softmax(vals, index, num_segments):
    # PyG-style softmax over edges grouped by target node
    vmax = jax.ops.segment_max(vals, index, num_segments=num_segments)
    vmax = jnp.where(jnp.isfinite(vmax), vmax, 0.0)
    e = jnp.exp(vals - vmax[index])
    denom = jax.ops.segment_sum(e, index, num_segments=num_segments)
    return e / (denom[index] + 1e-16)


def reference(x, p_t, edge_index, edge_weights, W_value, b_value):
    # Observation_progation.forward with use_beta=False, edge_attr=None,
    # return_attention_weights=None, dropout=0 (eval), concat=True, heads=1.
    dst = edge_index[1]  # aggregation index (flow: source_to_target)
    x_i = x[dst]  # gather target-node features per edge (module uses x_i in message)
    gamma = edge_weights[:, None]  # [E, 1]
    g = _segment_softmax(gamma, dst, N_NODES)  # softmax over incoming edges per node
    val = jax.nn.relu(x_i @ W_value + b_value).reshape(-1, HEADS, OUT_CH)
    msg = val * g.reshape(-1, HEADS, 1)
    out = jax.ops.segment_sum(msg, dst, num_segments=N_NODES)  # aggr='add'
    out = out.reshape(-1, HEADS * OUT_CH)  # concat=True
    return out

if __name__ == "__main__":
    import jax
    _d = setup_inputs()
    print(jax.jit(kernel)(*tuple(_d.values())))

</pallas_src>

<mosaic_0001>
#map = affine_map<(d0, d1) -> (0, 0)>
module attributes {stable_mosaic.version = 14 : i64} {
  func.func @_deg_body(%arg0: i32, %arg1: i32, %arg2: memref<2x320000xi32, #tpu.memory_space<hbm>>, %arg3: memref<2x10240xf32, #tpu.memory_space<hbm>>, %arg4: memref<10240xi32, #tpu.memory_space<vmem>>, %arg5: memref<128xf32, #tpu.memory_space<vmem>>, %arg6: memref<640xf32, #tpu.memory_space<vmem>>, %arg7: memref<10240xf32, #tpu.memory_space<vmem_shared>>) attributes {dimension_semantics = [#tpu.dimension_semantics<core_parallel>, #tpu.dimension_semantics<subcore_parallel>], iteration_bounds = array<i64: 2, 16>, scalar_prefetch = 0 : i64, scratch_operands = 4 : i64, tpu.core_type = #tpu.core_type<sc_vector_subcore>, window_params = [{transform_indices = #map}, {transform_indices = #map}]} {
    %mul3A = arith.constant 16 : i32
    %mul3A_0 = arith.muli %arg0, %mul3A : i32
    %add3A = arith.addi %mul3A_0, %arg1 : i32
    %broadcast_in_dim3A = arith.constant 1.000000e+00 : f32
    %broadcast_in_dim3A_1 = vector.broadcast %broadcast_in_dim3A : f32 to vector<16xf32>
    %broadcast_in_dim3A_2 = arith.constant 0.000000e+00 : f32
    %broadcast_in_dim3A_3 = vector.broadcast %broadcast_in_dim3A_2 : f32 to vector<16xf32>
    %swap3A = arith.constant 0 : index
    %swap3A_4 = tpu.vector_load %arg5[%swap3A] {strides = array<i32>} : memref<128xf32, #tpu.memory_space<vmem>>, vector<16xf32>,
    %swap3A_5 = vector.shape_cast %swap3A_4 : vector<16xf32> to vector<16xf32>
    %swap3A_6 = vector.shape_cast %broadcast_in_dim3A_1 : vector<16xf32> to vector<16xf32>
    tpu.vector_store %arg5[%swap3A], %swap3A_6 {strides = array<i32>} : memref<128xf32, #tpu.memory_space<vmem>>, vector<16xf32>,
    %swap3A_7 = arith.constant 16 : index
    %swap3A_8 = tpu.vector_load %arg5[%swap3A_7] {strides = array<i32>} : memref<128xf32, #tpu.memory_space<vmem>>, vector<16xf32>,
    %swap3A_9 = vector.shape_cast %swap3A_8 : vector<16xf32> to vector<16xf32>
    %swap3A_10 = vector.shape_cast %broadcast_in_dim3A_1 : vector<16xf32> to vector<16xf32>
    tpu.vector_store %arg5[%swap3A_7], %swap3A_10 {strides = array<i32>} : memref<128xf32, #tpu.memory_space<vmem>>, vector<16xf32>,
    %swap3A_11 = arith.constant 32 : index
    %swap3A_12 = tpu.vector_load %arg5[%swap3A_11] {strides = array<i32>} : memref<128xf32, #tpu.memory_space<vmem>>, vector<16xf32>,
    %swap3A_13 = vector.shape_cast %swap3A_12 : vector<16xf32> to vector<16xf32>
    %swap3A_14 = vector.shape_cast %broadcast_in_dim3A_1 : vector<16xf32> to vector<16xf32>
    tpu.vector_store %arg5[%swap3A_11], %swap3A_14 {strides = array<i32>} : memref<128xf32, #tpu.memory_space<vmem>>, vector<16xf32>,
    %swap3A_15 = arith.constant 48 : index
    %swap3A_16 = tpu.vector_load %arg5[%swap3A_15] {strides = array<i32>} : memref<128xf32, #tpu.memory_space<vmem>>, vector<16xf32>,
    %swap3A_17 = vector.shape_cast %swap3A_16 : vector<16xf32> to vector<16xf32>
    %swap3A_18 = vector.shape_cast %broadcast_in_dim3A_1 : vector<16xf32> to vector<16xf32>
    tpu.vector_store %arg5[%swap3A_15], %swap3A_18 {strides = array<i32>} : memref<128xf32, #tpu.memory_space<vmem>>, vector<16xf32>,
    %swap3A_19 = arith.constant 64 : index
    %swap3A_20 = tpu.vector_load %arg5[%swap3A_19] {strides = array<i32>} : memref<128xf32, #tpu.memory_space<vmem>>, vector<16xf32>,
    %swap3A_21 = vector.shape_cast %swap3A_20 : vector<16xf32> to vector<16xf32>
    %swap3A_22 = vector.shape_cast %broadcast_in_dim3A_1 : vector<16xf32> to vector<16xf32>
    tpu.vector_store %arg5[%swap3A_19], %swap3A_22 {strides = array<i32>} : memref<128xf32, #tpu.memory_space<vmem>>, vector<16xf32>,
    %swap3A_23 = arith.constant 80 : index
    %swap3A_24 = tpu.vector_load %arg5[%swap3A_23] {strides = array<i32>} : memref<128xf32, #tpu.memory_space<vmem>>, vector<16xf32>,
    %swap3A_25 = vector.shape_cast %swap3A_24 : vector<16xf32> to vector<16xf32>
    %swap3A_26 = vector.shape_cast %broadcast_in_dim3A_1 : vector<16xf32> to vector<16xf32>
    tpu.vector_store %arg5[%swap3A_23], %swap3A_26 {strides = array<i32>} : memref<128xf32, #tpu.memory_space<vmem>>, vector<16xf32>,
    %swap3A_27 = arith.constant 96 : index
    %swap3A_28 = tpu.vector_load %arg5[%swap3A_27] {strides = array<i32>} : memref<128xf32, #tpu.memory_space<vmem>>, vector<16xf32>,
    %swap3A_29 = vector.shape_cast %swap3A_28 : vector<16xf32> to vector<16xf32>
    %swap3A_30 = vector.shape_cast %broadcast_in_dim3A_1 : vector<16xf32> to vector<16xf32>
    tpu.vector_store %arg5[%swap3A_27], %swap3A_30 {strides = array<i32>} : memref<128xf32, #tpu.memory_space<vmem>>, vector<16xf32>,
    %swap3A_31 = arith.constant 112 : index
    %swap3A_32 = tpu.vector_load %arg5[%swap3A_31] {strides = array<i32>} : memref<128xf32, #tpu.memory_space<vmem>>, vector<16xf32>,
    %swap3A_33 = vector.shape_cast %swap3A_32 : vector<16xf32> to vector<16xf32>
    %swap3A_34 = vector.shape_cast %broadcast_in_dim3A_1 : vector<16xf32> to vector<16xf32>
    tpu.vector_store %arg5[%swap3A_31], %swap3A_34 {strides = array<i32>} : memref<128xf32, #tpu.memory_space<vmem>>, vector<16xf32>,
    %swap3A_35 = arith.constant 0 : index
    %swap3A_36 = tpu.vector_load %arg6[%swap3A_35] {strides = array<i32>} : memref<640xf32, #tpu.memory_space<vmem>>, vector<16xf32>,
    %swap3A_37 = vector.shape_cast %swap3A_36 : vector<16xf32> to vector<16xf32>
    %swap3A_38 = vector.shape_cast %broadcast_in_dim3A_3 : vector<16xf32> to vector<16xf32>
    tpu.vector_store %arg6[%swap3A_35], %swap3A_38 {strides = array<i32>} : memref<640xf32, #tpu.memory_space<vmem>>, vector<16xf32>,
    %swap3A_39 = arith.constant 16 : index
    %swap3A_40 = tpu.vector_load %arg6[%swap3A_39] {strides = array<i32>} : memref<640xf32, #tpu.memory_space<vmem>>, vector<16xf32>,
    %swap3A_41 = vector.shape_cast %swap3A_40 : vector<16xf32> to vector<16xf32>
    %swap3A_42 = vector.shape_cast %broadcast_in_dim3A_3 : vector<16xf32> to vector<16xf32>
    tpu.vector_store %arg6[%swap3A_39], %swap3A_42 {strides = array<i32>} : memref<640xf32, #tpu.memory_space<vmem>>, vector<16xf32>,
    %swap3A_43 = arith.constant 32 : index
    %swap3A_44 = tpu.vector_load %arg6[%swap3A_43] {strides = array<i32>} : memref<640xf32, #tpu.memory_space<vmem>>, vector<16xf32>,
    %swap3A_45 = vector.shape_cast %swap3A_44 : vector<16xf32> to vector<16xf32>
    %swap3A_46 = vector.shape_cast %broadcast_in_dim3A_3 : vector<16xf32> to vector<16xf32>
    tpu.vector_store %arg6[%swap3A_43], %swap3A_46 {strides = array<i32>} : memref<640xf32, #tpu.memory_space<vmem>>, vector<16xf32>,
    %swap3A_47 = arith.constant 48 : index
    %swap3A_48 = tpu.vector_load %arg6[%swap3A_47] {strides = array<i32>} : memref<640xf32, #tpu.memory_space<vmem>>, vector<16xf32>,
    %swap3A_49 = vector.shape_cast %swap3A_48 : vector<16xf32> to vector<16xf32>
    %swap3A_50 = vector.shape_cast %broadcast_in_dim3A_3 : vector<16xf32> to vector<16xf32>
    tpu.vector_store %arg6[%swap3A_47], %swap3A_50 {strides = array<i32>} : memref<640xf32, #tpu.memory_space<vmem>>, vector<16xf32>,
    %swap3A_51 = arith.constant 64 : index
    %swap3A_52 = tpu.vector_load %arg6[%swap3A_51] {strides = array<i32>} : memref<640xf32, #tpu.memory_space<vmem>>, vector<16xf32>,
    %swap3A_53 = vector.shape_cast %swap3A_52 : vector<16xf32> to vector<16xf32>
    %swap3A_54 = vector.shape_cast %broadcast_in_dim3A_3 : vector<16xf32> to vector<16xf32>
    tpu.vector_store %arg6[%swap3A_51], %swap3A_54 {strides = array<i32>} : memref<640xf32, #tpu.memory_space<vmem>>, vector<16xf32>,
    %swap3A_55 = arith.constant 80 : index
    %swap3A_56 = tpu.vector_load %arg6[%swap3A_55] {strides = array<i32>} : memref<640xf32, #tpu.memory_space<vmem>>, vector<16xf32>,
    %swap3A_57 = vector.shape_cast %swap3A_56 : vector<16xf32> to vector<16xf32>
    %swap3A_58 = vector.shape_cast %broadcast_in_dim3A_3 : vector<16xf32> to vector<16xf32>
    tpu.vector_store %arg6[%swap3A_55], %swap3A_58 {strides = array<i32>} : memref<640xf32, #tpu.memory_space<vmem>>, vector<16xf32>,
    %swap3A_59 = arith.constant 96 : index
    %swap3A_60 = tpu.vector_load %arg6[%swap3A_59] {strides = array<i32>} : memref<640xf32, #tpu.memory_space<vmem>>, vector<16xf32>,
    %swap3A_61 = vector.shape_cast %swap3A_60 : vector<16xf32> to vector<16xf32>
    %swap3A_62 = vector.shape_cast %broadcast_in_dim3A_3 : vector<16xf32> to vector<16xf32>
    tpu.vector_store %arg6[%swap3A_59], %swap3A_62 {strides = array<i32>} : memref<640xf32, #tpu.memory_space<vmem>>, vector<16xf32>,
    %swap3A_63 = arith.constant 112 : index
    %swap3A_64 = tpu.vector_load %arg6[%swap3A_63] {strides = array<i32>} : memref<640xf32, #tpu.memory_space<vmem>>, vector<16xf32>,
    %swap3A_65 = vector.shape_cast %swap3A_64 : vector<16xf32> to vector<16xf32>
    %swap3A_66 = vector.shape_cast %broadcast_in_dim3A_3 : vector<16xf32> to vector<16xf32>
    tpu.vector_store %arg6[%swap3A_63], %swap3A_66 {strides = array<i32>} : memref<640xf32, #tpu.memory_space<vmem>>, vector<16xf32>,
    %swap3A_67 = arith.constant 128 : index
    %swap3A_68 = tpu.vector_load %arg6[%swap3A_67] {strides = array<i32>} : memref<640xf32, #tpu.memory_space<vmem>>, vector<16xf32>,
    %swap3A_69 = vector.shape_cast %swap3A_68 : vector<16xf32> to vector<16xf32>
    %swap3A_70 = vector.shape_cast %broadcast_in_dim3A_3 : vector<16xf32> to vector<16xf32>
    tpu.vector_store %arg6[%swap3A_67], %swap3A_70 {strides = array<i32>} : memref<640xf32, #tpu.memory_space<vmem>>, vector<16xf32>,
    %swap3A_71 = arith.constant 144 : index
    %swap3A_72 = tpu.vector_load %arg6[%swap3A_71] {strides = array<i32>} : memref<640xf32, #tpu.memory_space<vmem>>, vector<16xf32>,
    %swap3A_73 = vector.shape_cast %swap3A_72 : vector<16xf32> to vector<16xf32>
    %swap3A_74 = vector.shape_cast %broadcast_in_dim3A_3 : vector<16xf32> to vector<16xf32>
    tpu.vector_store %arg6[%swap3A_71], %swap3A_74 {strides = array<i32>} : memref<640xf32, #tpu.memory_space<vmem>>, vector<16xf32>,
    %swap3A_75 = arith.constant 160 : index
    %swap3A_76 = tpu.vector_load %arg6[%swap3A_75] {strides = array<i32>} : memref<640xf32, #tpu.memory_space<vmem>>, vector<16xf32>,
    %swap3A_77 = vector.shape_cast %swap3A_76 : vector<16xf32> to vector<16xf32>
    %swap3A_78 = vector.shape_cast %broadcast_in_dim3A_3 : vector<16xf32> to vector<16xf32>
    tpu.vector_store %arg6[%swap3A_75], %swap3A_78 {strides = array<i32>} : memref<640xf32, #tpu.memory_space<vmem>>, vector<16xf32>,
    %swap3A_79 = arith.constant 176 : index
    %swap3A_80 = tpu.vector_load %arg6[%swap3A_79] {strides = array<i32>} : memref<640xf32, #tpu.memory_space<vmem>>, vector<16xf32>,
    %swap3A_81 = vector.shape_cast %swap3A_80 : vector<16xf32> to vector<16xf32>
    %swap3A_82 = vector.shape_cast %broadcast_in_dim3A_3 : vector<16xf32> to vector<16xf32>
    tpu.vector_store %arg6[%swap3A_79], %swap3A_82 {strides = array<i32>} : memref<640xf32, #tpu.memory_space<vmem>>, vector<16xf32>,
    %swap3A_83 = arith.constant 192 : index
    %swap3A_84 = tpu.vector_load %arg6[%swap3A_83] {strides = array<i32>} : memref<640xf32, #tpu.memory_space<vmem>>, vector<16xf32>,
    %swap3A_85 = vector.shape_cast %swap3A_84 : vector<16xf32> to vector<16xf32>
    %swap3A_86 = vector.shape_cast %broadcast_in_dim3A_3 : vector<16xf32> to vector<16xf32>
    tpu.vector_store %arg6[%swap3A_83], %swap3A_86 {strides = array<i32>} : memref<640xf32, #tpu.memory_space<vmem>>, vector<16xf32>,
    %swap3A_87 = arith.constant 208 : index
    %swap3A_88 = tpu.vector_load %arg6[%swap3A_87] {strides = array<i32>} : memref<640xf32, #tpu.memory_space<vmem>>, vector<16xf32>,
    %swap3A_89 = vector.shape_cast %swap3A_88 : vector<16xf32> to vector<16xf32>
    %swap3A_90 = vector.shape_cast %broadcast_in_dim3A_3 : vector<16xf32> to vector<16xf32>
    tpu.vector_store %arg6[%swap3A_87], %swap3A_90 {strides = array<i32>} : memref<640xf32, #tpu.memory_space<vmem>>, vector<16xf32>,
    %swap3A_91 = arith.constant 224 : index
    %swap3A_92 = tpu.vector_load %arg6[%swap3A_91] {strides = array<i32>} : memref<640xf32, #tpu.memory_space<vmem>>, vector<16xf32>,
    %swap3A_93 = vector.shape_cast %swap3A_92 : vector<16xf32> to vector<16xf32>
    %swap3A_94 = vector.shape_cast %broadcast_in_dim3A_3 : vector<16xf32> to vector<16xf32>
    tpu.vector_store %arg6[%swap3A_91], %swap3A_94 {strides = array<i32>} : memref<640xf32, #tpu.memory_space<vmem>>, vector<16xf32>,
    %swap3A_95 = arith.constant 240 : index
    %swap3A_96 = tpu.vector_load %arg6[%swap3A_95] {strides = array<i32>} : memref<640xf32, #tpu.memory_space<vmem>>, vector<16xf32>,
    %swap3A_97 = vector.shape_cast %swap3A_96 : vector<16xf32> to vector<16xf32>
    %swap3A_98 = vector.shape_cast %broadcast_in_dim3A_3 : vector<16xf32> to vector<16xf32>
    tpu.vector_store %arg6[%swap3A_95], %swap3A_98 {strides = array<i32>} : memref<640xf32, #tpu.memory_space<vmem>>, vector<16xf32>,
    %swap3A_99 = arith.constant 256 : index
    %swap3A_100 = tpu.vector_load %arg6[%swap3A_99] {strides = array<i32>} : memref<640xf32, #tpu.memory_space<vmem>>, vector<16xf32>,
    %swap3A_101 = vector.shape_cast %swap3A_100 : vector<16xf32> to vector<16xf32>
    %swap3A_102 = vector.shape_cast %broadcast_in_dim3A_3 : vector<16xf32> to vector<16xf32>
    tpu.vector_store %arg6[%swap3A_99], %swap3A_102 {strides = array<i32>} : memref<640xf32, #tpu.memory_space<vmem>>, vector<16xf32>,
    %swap3A_103 = arith.constant 272 : index
    %swap3A_104 = tpu.vector_load %arg6[%swap3A_103] {strides = array<i32>} : memref<640xf32, #tpu.memory_space<vmem>>, vector<16xf32>,
    %swap3A_105 = vector.shape_cast %swap3A_104 : vector<16xf32> to vector<16xf32>
    %swap3A_106 = vector.shape_cast %broadcast_in_dim3A_3 : vector<16xf32> to vector<16xf32>
    tpu.vector_store %arg6[%swap3A_103], %swap3A_106 {strides = array<i32>} : memref<640xf32, #tpu.memory_space<vmem>>, vector<16xf32>,
    %swap3A_107 = arith.constant 288 : index
    %swap3A_108 = tpu.vector_load %arg6[%swap3A_107] {strides = array<i32>} : memref<640xf32, #tpu.memory_space<vmem>>, vector<16xf32>,
    %swap3A_109 = vector.shape_cast %swap3A_108 : vector<16xf32> to vector<16xf32>
    %swap3A_110 = vector.shape_cast %broadcast_in_dim3A_3 : vector<16xf32> to vector<16xf32>
    tpu.vector_store %arg6[%swap3A_107], %swap3A_110 {strides = array<i32>} : memref<640xf32, #tpu.memory_space<vmem>>, vector<16xf32>,
    %swap3A_111 = arith.constant 304 : index
    %swap3A_112 = tpu.vector_load %arg6[%swap3A_111] {strides = array<i32>} : memref<640xf32, #tpu.memory_space<vmem>>, vector<16xf32>,
    %swap3A_113 = vector.shape_cast %swap3A_112 : vector<16xf32> to vector<16xf32>
    %swap3A_114 = vector.shape_cast %broadcast_in_dim3A_3 : vector<16xf32> to vector<16xf32>
    tpu.vector_store %arg6[%swap3A_111], %swap3A_114 {strides = array<i32>} : memref<640xf32, #tpu.memory_space<vmem>>, vector<16xf32>,
    %swap3A_115 = arith.constant 320 : index
    %swap3A_116 = tpu.vector_load %arg6[%swap3A_115] {strides = array<i32>} : memref<640xf32, #tpu.memory_space<vmem>>, vector<16xf32>,
    %swap3A_117 = vector.shape_cast %swap3A_116 : vector<16xf32> to vector<16xf32>
    %swap3A_118 = vector.shape_cast %broadcast_in_dim3A_3 : vector<16xf32> to vector<16xf32>
    tpu.vector_store %arg6[%swap3A_115], %swap3A_118 {strides = array<i32>} : memref<640xf32, #tpu.memory_space<vmem>>, vector<16xf32>,
    %swap3A_119 = arith.constant 336 : index
    %swap3A_120 = tpu.vector_load %arg6[%swap3A_119] {strides = array<i32>} : memref<640xf32, #tpu.memory_space<vmem>>, vector<16xf32>,
    %swap3A_121 = vector.shape_cast %swap3A_120 : vector<16xf32> to vector<16xf32>
    %swap3A_122 = vector.shape_cast %broadcast_in_dim3A_3 : vector<16xf32> to vector<16xf32>
    tpu.vector_store %arg6[%swap3A_119], %swap3A_122 {strides = array<i32>} : memref<640xf32, #tpu.memory_space<vmem>>, vector<16xf32>,
    %swap3A_123 = arith.constant 352 : index
    %swap3A_124 = tpu.vector_load %arg6[%swap3A_123] {strides = array<i32>} : memref<640xf32, #tpu.memory_space<vmem>>, vector<16xf32>,
    %swap3A_125 = vector.shape_cast %swap3A_124 : vector<16xf32> to vector<16xf32>
    %swap3A_126 = vector.shape_cast %broadcast_in_dim3A_3 : vector<16xf32> to vector<16xf32>
    tpu.vector_store %arg6[%swap3A_123], %swap3A_126 {strides = array<i32>} : memref<640xf32, #tpu.memory_space<vmem>>, vector<16xf32>,
    %swap3A_127 = arith.constant 368 : index
    %swap3A_128 = tpu.vector_load %arg6[%swap3A_127] {strides = array<i32>} : memref<640xf32, #tpu.memory_space<vmem>>, vector<16xf32>,
    %swap3A_129 = vector.shape_cast %swap3A_128 : vector<16xf32> to vector<16xf32>
    %swap3A_130 = vector.shape_cast %broadcast_in_dim3A_3 : vector<16xf32> to vector<16xf32>
    tpu.vector_store %arg6[%swap3A_127], %swap3A_130 {strides = array<i32>} : memref<640xf32, #tpu.memory_space<vmem>>, vector<16xf32>,
    %swap3A_131 = arith.constant 384 : index
    %swap3A_132 = tpu.vector_load %arg6[%swap3A_131] {strides = array<i32>} : memref<640xf32, #tpu.memory_space<vmem>>, vector<16xf32>,
    %swap3A_133 = vector.shape_cast %swap3A_132 : vector<16xf32> to vector<16xf32>
    %swap3A_134 = vector.shape_cast %broadcast_in_dim3A_3 : vector<16xf32> to vector<16xf32>
    tpu.vector_store %arg6[%swap3A_131], %swap3A_134 {strides = array<i32>} : memref<640xf32, #tpu.memory_space<vmem>>, vector<16xf32>,
    %swap3A_135 = arith.constant 400 : index
    %swap3A_136 = tpu.vector_load %arg6[%swap3A_135] {strides = array<i32>} : memref<640xf32, #tpu.memory_space<vmem>>, vector<16xf32>,
    %swap3A_137 = vector.shape_cast %swap3A_136 : vector<16xf32> to vector<16xf32>
    %swap3A_138 = vector.shape_cast %broadcast_in_dim3A_3 : vector<16xf32> to vector<16xf32>
    tpu.vector_store %arg6[%swap3A_135], %swap3A_138 {strides = array<i32>} : memref<640xf32, #tpu.memory_space<vmem>>, vector<16xf32>,
    %swap3A_139 = arith.constant 416 : index
    %swap3A_140 = tpu.vector_load %arg6[%swap3A_139] {strides = array<i32>} : memref<640xf32, #tpu.memory_space<vmem>>, vector<16xf32>,
    %swap3A_141 = vector.shape_cast %swap3A_140 : vector<16xf32> to vector<16xf32>
    %swap3A_142 = vector.shape_cast %broadcast_in_dim3A_3 : vector<16xf32> to vector<16xf32>
    tpu.vector_store %arg6[%swap3A_139], %swap3A_142 {strides = array<i32>} : memref<640xf32, #tpu.memory_space<vmem>>, vector<16xf32>,
    %swap3A_143 = arith.constant 432 : index
    %swap3A_144 = tpu.vector_load %arg6[%swap3A_143] {strides = array<i32>} : memref<640xf32, #tpu.memory_space<vmem>>, vector<16xf32>,
    %swap3A_145 = vector.shape_cast %swap3A_144 : vector<16xf32> to vector<16xf32>
    %swap3A_146 = vector.shape_cast %broadcast_in_dim3A_3 : vector<16xf32> to vector<16xf32>
    tpu.vector_store %arg6[%swap3A_143], %swap3A_146 {strides = array<i32>} : memref<640xf32, #tpu.memory_space<vmem>>, vector<16xf32>,
    %swap3A_147 = arith.constant 448 : index
    %swap3A_148 = tpu.vector_load %arg6[%swap3A_147] {strides = array<i32>} : memref<640xf32, #tpu.memory_space<vmem>>, vector<16xf32>,
    %swap3A_149 = vector.shape_cast %swap3A_148 : vector<16xf32> to vector<16xf32>
    %swap3A_150 = vector.shape_cast %broadcast_in_dim3A_3 : vector<16xf32> to vector<16xf32>
    tpu.vector_store %arg6[%swap3A_147], %swap3A_150 {strides = array<i32>} : memref<640xf32, #tpu.memory_space<vmem>>, vector<16xf32>,
    %swap3A_151 = arith.constant 464 : index
    %swap3A_152 = tpu.vector_load %arg6[%swap3A_151] {strides = array<i32>} : memref<640xf32, #tpu.memory_space<vmem>>, vector<16xf32>,
    %swap3A_153 = vector.shape_cast %swap3A_152 : vector<16xf32> to vector<16xf32>
    %swap3A_154 = vector.shape_cast %broadcast_in_dim3A_3 : vector<16xf32> to vector<16xf32>
    tpu.vector_store %arg6[%swap3A_151], %swap3A_154 {strides = array<i32>} : memref<640xf32, #tpu.memory_space<vmem>>, vector<16xf32>,
    %swap3A_155 = arith.constant 480 : index
    %swap3A_156 = tpu.vector_load %arg6[%swap3A_155] {strides = array<i32>} : memref<640xf32, #tpu.memory_space<vmem>>, vector<16xf32>,
    %swap3A_157 = vector.shape_cast %swap3A_156 : vector<16xf32> to vector<16xf32>
    %swap3A_158 = vector.shape_cast %broadcast_in_dim3A_3 : vector<16xf32> to vector<16xf32>
    tpu.vector_store %arg6[%swap3A_155], %swap3A_158 {strides = array<i32>} : memref<640xf32, #tpu.memory_space<vmem>>, vector<16xf32>,
    %swap3A_159 = arith.constant 496 : index
    %swap3A_160 = tpu.vector_load %arg6[%swap3A_159] {strides = array<i32>} : memref<640xf32, #tpu.memory_space<vmem>>, vector<16xf32>,
    %swap3A_161 = vector.shape_cast %swap3A_160 : vector<16xf32> to vector<16xf32>
    %swap3A_162 = vector.shape_cast %broadcast_in_dim3A_3 : vector<16xf32> to vector<16xf32>
    tpu.vector_store %arg6[%swap3A_159], %swap3A_162 {strides = array<i32>} : memref<640xf32, #tpu.memory_space<vmem>>, vector<16xf32>,
    %swap3A_163 = arith.constant 512 : index
    %swap3A_164 = tpu.vector_load %arg6[%swap3A_163] {strides = array<i32>} : memref<640xf32, #tpu.memory_space<vmem>>, vector<16xf32>,
    %swap3A_165 = vector.shape_cast %swap3A_164 : vector<16xf32> to vector<16xf32>
    %swap3A_166 = vector.shape_cast %broadcast_in_dim3A_3 : vector<16xf32> to vector<16xf32>
    tpu.vector_store %arg6[%swap3A_163], %swap3A_166 {strides = array<i32>} : memref<640xf32, #tpu.memory_space<vmem>>, vector<16xf32>,
    %swap3A_167 = arith.constant 528 : index
    %swap3A_168 = tpu.vector_load %arg6[%swap3A_167] {strides = array<i32>} : memref<640xf32, #tpu.memory_space<vmem>>, vector<16xf32>,
    %swap3A_169 = vector.shape_cast %swap3A_168 : vector<16xf32> to vector<16xf32>
    %swap3A_170 = vector.shape_cast %broadcast_in_dim3A_3 : vector<16xf32> to vector<16xf32>
    tpu.vector_store %arg6[%swap3A_167], %swap3A_170 {strides = array<i32>} : memref<640xf32, #tpu.memory_space<vmem>>, vector<16xf32>,
    %swap3A_171 = arith.constant 544 : index
    %swap3A_172 = tpu.vector_load %arg6[%swap3A_171] {strides = array<i32>} : memref<640xf32, #tpu.memory_space<vmem>>, vector<16xf32>,
    %swap3A_173 = vector.shape_cast %swap3A_172 : vector<16xf32> to vector<16xf32>
    %swap3A_174 = vector.shape_cast %broadcast_in_dim3A_3 : vector<16xf32> to vector<16xf32>
    tpu.vector_store %arg6[%swap3A_171], %swap3A_174 {strides = array<i32>} : memref<640xf32, #tpu.memory_space<vmem>>, vector<16xf32>,
    %swap3A_175 = arith.constant 560 : index
    %swap3A_176 = tpu.vector_load %arg6[%swap3A_175] {strides = array<i32>} : memref<640xf32, #tpu.memory_space<vmem>>, vector<16xf32>,
    %swap3A_177 = vector.shape_cast %swap3A_176 : vector<16xf32> to vector<16xf32>
    %swap3A_178 = vector.shape_cast %broadcast_in_dim3A_3 : vector<16xf32> to vector<16xf32>
    tpu.vector_store %arg6[%swap3A_175], %swap3A_178 {strides = array<i32>} : memref<640xf32, #tpu.memory_space<vmem>>, vector<16xf32>,
    %swap3A_179 = arith.constant 576 : index
    %swap3A_180 = tpu.vector_load %arg6[%swap3A_179] {strides = array<i32>} : memref<640xf32, #tpu.memory_space<vmem>>, vector<16xf32>,
    %swap3A_181 = vector.shape_cast %swap3A_180 : vector<16xf32> to vector<16xf32>
    %swap3A_182 = vector.shape_cast %broadcast_in_dim3A_3 : vector<16xf32> to vector<16xf32>
    tpu.vector_store %arg6[%swap3A_179], %swap3A_182 {strides = array<i32>} : memref<640xf32, #tpu.memory_space<vmem>>, vector<16xf32>,
    %swap3A_183 = arith.constant 592 : index
    %swap3A_184 = tpu.vector_load %arg6[%swap3A_183] {strides = array<i32>} : memref<640xf32, #tpu.memory_space<vmem>>, vector<16xf32>,
    %swap3A_185 = vector.shape_cast %swap3A_184 : vector<16xf32> to vector<16xf32>
    %swap3A_186 = vector.shape_cast %broadcast_in_dim3A_3 : vector<16xf32> to vector<16xf32>
    tpu.vector_store %arg6[%swap3A_183], %swap3A_186 {strides = array<i32>} : memref<640xf32, #tpu.memory_space<vmem>>, vector<16xf32>,
    %swap3A_187 = arith.constant 608 : index
    %swap3A_188 = tpu.vector_load %arg6[%swap3A_187] {strides = array<i32>} : memref<640xf32, #tpu.memory_space<vmem>>, vector<16xf32>,
    %swap3A_189 = vector.shape_cast %swap3A_188 : vector<16xf32> to vector<16xf32>
    %swap3A_190 = vector.shape_cast %broadcast_in_dim3A_3 : vector<16xf32> to vector<16xf32>
    tpu.vector_store %arg6[%swap3A_187], %swap3A_190 {strides = array<i32>} : memref<640xf32, #tpu.memory_space<vmem>>, vector<16xf32>,
    %swap3A_191 = arith.constant 624 : index
    %swap3A_192 = tpu.vector_load %arg6[%swap3A_191] {strides = array<i32>} : memref<640xf32, #tpu.memory_space<vmem>>, vector<16xf32>,
    %swap3A_193 = vector.shape_cast %swap3A_192 : vector<16xf32> to vector<16xf32>
    %swap3A_194 = vector.shape_cast %broadcast_in_dim3A_3 : vector<16xf32> to vector<16xf32>
    tpu.vector_store %arg6[%swap3A_191], %swap3A_194 {strides = array<i32>} : memref<640xf32, #tpu.memory_space<vmem>>, vector<16xf32>,
    %mul3A_195 = arith.constant 640 : i32
    %mul3A_196 = arith.muli %arg1, %mul3A_195 : i32
    "tpu.region"() ({
      %run_scoped3A = tpu.sem_alloc : memref<!tpu.dma_semaphore, #tpu.memory_space<semaphore_mem>>
      %dma_start3A = tpu.memref_slice %arg7[%mul3A_196] : memref<10240xf32, #tpu.memory_space<vmem_shared>> -> memref<640xf32, #tpu.memory_space<vmem_shared>>
      %dma_start3A_220 = tpu.memref_slice %arg7[%mul3A_196] : memref<10240xf32, #tpu.memory_space<vmem_shared>> -> memref<640xf32, #tpu.memory_space<vmem_shared>>
      tpu.enqueue_dma source(%arg6 : memref<640xf32, #tpu.memory_space<vmem>>) target(%dma_start3A_220 : memref<640xf32, #tpu.memory_space<vmem_shared>>) target_semaphore(%run_scoped3A : memref<!tpu.dma_semaphore, #tpu.memory_space<semaphore_mem>>)
      %dma_wait3A = tpu.memref_slice %arg7[%mul3A_196] : memref<10240xf32, #tpu.memory_space<vmem_shared>> -> memref<640xf32, #tpu.memory_space<vmem_shared>>
      %dma_wait3A_221 = tpu.memref_slice %arg7[%mul3A_196] : memref<10240xf32, #tpu.memory_space<vmem_shared>> -> memref<640xf32, #tpu.memory_space<vmem_shared>>
      tpu.wait_dma2 semaphore(%run_scoped3A : memref<!tpu.dma_semaphore, #tpu.memory_space<semaphore_mem>>) src(%arg6 : memref<640xf32, #tpu.memory_space<vmem>>) dst(%dma_wait3A_221 : memref<640xf32, #tpu.memory_space<vmem_shared>>)
      tpu.yield
    }) : () -> ()
    %lt3A = arith.constant 31 : i32
    %lt3A_197 = arith.cmpi slt, %add3A, %lt3A : i32
    %convert_element_type3A = arith.extui %lt3A_197 : i1 to i32
    %cond3A = arith.constant 0 : i32
    %cond3A_198 = arith.cmpi ne, %convert_element_type3A, %cond3A : i32
    scf.if %cond3A_198 {
      %mul3A_220 = arith.constant 80 : i32
      %mul3A_221 = arith.muli %add3A, %mul3A_220 : i32
      %mul3A_222 = arith.constant 128 : i32
      %mul3A_223 = arith.muli %mul3A_221, %mul3A_222 : i32
      %run_scoped3A = arith.constant 1 : i32
      "tpu.region"() ({
        %run_scoped3A_224 = tpu.sem_alloc : memref<!tpu.dma_semaphore, #tpu.memory_space<semaphore_mem>>
        %dma_start3A = tpu.memref_slice %arg2[%run_scoped3A, %mul3A_223] : memref<2x320000xi32, #tpu.memory_space<hbm>> -> memref<1x10240xi32, #tpu.memory_space<hbm>>
        %dma_start3A_225 = tpu.memref_squeeze %dma_start3A : memref<1x10240xi32, #tpu.memory_space<hbm>> -> memref<10240xi32, #tpu.memory_space<hbm>>
        %dma_start3A_226 = tpu.memref_slice %arg2[%run_scoped3A, %mul3A_223] : memref<2x320000xi32, #tpu.memory_space<hbm>> -> memref<1x10240xi32, #tpu.memory_space<hbm>>
        %dma_start3A_227 = tpu.memref_squeeze %dma_start3A_226 : memref<1x10240xi32, #tpu.memory_space<hbm>> -> memref<10240xi32, #tpu.memory_space<hbm>>
        tpu.enqueue_dma source(%dma_start3A_227 : memref<10240xi32, #tpu.memory_space<hbm>>) target(%arg4 : memref<10240xi32, #tpu.memory_space<vmem>>) target_semaphore(%run_scoped3A_224 : memref<!tpu.dma_semaphore, #tpu.memory_space<semaphore_mem>>)
        %dma_wait3A = tpu.memref_slice %arg2[%run_scoped3A, %mul3A_223] : memref<2x320000xi32, #tpu.memory_space<hbm>> -> memref<1x10240xi32, #tpu.memory_space<hbm>>
        %dma_wait3A_228 = tpu.memref_squeeze %dma_wait3A : memref<1x10240xi32, #tpu.memory_space<hbm>> -> memref<10240xi32, #tpu.memory_space<hbm>>
        %dma_wait3A_229 = tpu.memref_slice %arg2[%run_scoped3A, %mul3A_223] : memref<2x320000xi32, #tpu.memory_space<hbm>> -> memref<1x10240xi32, #tpu.memory_space<hbm>>
        %dma_wait3A_230 = tpu.memref_squeeze %dma_wait3A_229 : memref<1x10240xi32, #tpu.memory_space<hbm>> -> memref<10240xi32, #tpu.memory_space<hbm>>
        tpu.wait_dma2 semaphore(%run_scoped3A_224 : memref<!tpu.dma_semaphore, #tpu.memory_space<semaphore_mem>>) src(%dma_wait3A_230 : memref<10240xi32, #tpu.memory_space<hbm>>) dst(%arg4 : memref<10240xi32, #tpu.memory_space<vmem>>)
        tpu.yield
      }) : () -> ()
    } else {
    }
    %eq3A = arith.constant 31 : i32
    %eq3A_199 = arith.cmpi eq, %add3A, %eq3A : i32
    %convert_element_type3A_200 = arith.extui %eq3A_199 : i1 to i32
    %cond3A_201 = arith.constant 0 : i32
    %cond3A_202 = arith.cmpi ne, %convert_element_type3A_200, %cond3A_201 : i32
    scf.if %cond3A_202 {
      %run_scoped3A = arith.constant 1 : i32
      "tpu.region"() ({
        %run_scoped3A_220 = tpu.sem_alloc : memref<!tpu.dma_semaphore, #tpu.memory_space<semaphore_mem>>
        %dma_start3A = arith.constant 0 : i32
        %dma_start3A_221 = tpu.memref_slice %arg4[%dma_start3A] : memref<10240xi32, #tpu.memory_space<vmem>> -> memref<2560xi32, #tpu.memory_space<vmem>>
        %dma_start3A_222 = arith.constant 317440 : i32
        %dma_start3A_223 = tpu.memref_slice %arg2[%run_scoped3A, %dma_start3A_222] : memref<2x320000xi32, #tpu.memory_space<hbm>> -> memref<1x2560xi32, #tpu.memory_space<hbm>>
        %dma_start3A_224 = tpu.memref_squeeze %dma_start3A_223 : memref<1x2560xi32, #tpu.memory_space<hbm>> -> memref<2560xi32, #tpu.memory_space<hbm>>
        %dma_start3A_225 = arith.constant 0 : i32
        %dma_start3A_226 = tpu.memref_slice %arg4[%dma_start3A_225] : memref<10240xi32, #tpu.memory_space<vmem>> -> memref<2560xi32, #tpu.memory_space<vmem>>
        %dma_start3A_227 = arith.constant 317440 : i32
        %dma_start3A_228 = tpu.memref_slice %arg2[%run_scoped3A, %dma_start3A_227] : memref<2x320000xi32, #tpu.memory_space<hbm>> -> memref<1x2560xi32, #tpu.memory_space<hbm>>
        %dma_start3A_229 = tpu.memref_squeeze %dma_start3A_228 : memref<1x2560xi32, #tpu.memory_space<hbm>> -> memref<2560xi32, #tpu.memory_space<hbm>>
        tpu.enqueue_dma source(%dma_start3A_229 : memref<2560xi32, #tpu.memory_space<hbm>>) target(%dma_start3A_226 : memref<2560xi32, #tpu.memory_space<vmem>>) target_semaphore(%run_scoped3A_220 : memref<!tpu.dma_semaphore, #tpu.memory_space<semaphore_mem>>)
        %dma_wait3A = arith.constant 0 : i32
        %dma_wait3A_230 = tpu.memref_slice %arg4[%dma_wait3A] : memref<10240xi32, #tpu.memory_space<vmem>> -> memref<2560xi32, #tpu.memory_space<vmem>>
        %dma_wait3A_231 = arith.constant 317440 : i32
        %dma_wait3A_232 = tpu.memref_slice %arg2[%run_scoped3A, %dma_wait3A_231] : memref<2x320000xi32, #tpu.memory_space<hbm>> -> memref<1x2560xi32, #tpu.memory_space<hbm>>
        %dma_wait3A_233 = tpu.memref_squeeze %dma_wait3A_232 : memref<1x2560xi32, #tpu.memory_space<hbm>> -> memref<2560xi32, #tpu.memory_space<hbm>>
        %dma_wait3A_234 = arith.constant 0 : i32
        %dma_wait3A_235 = tpu.memref_slice %arg4[%dma_wait3A_234] : memref<10240xi32, #tpu.memory_space<vmem>> -> memref<2560xi32, #tpu.memory_space<vmem>>
        %dma_wait3A_236 = arith.constant 317440 : i32
        %dma_wait3A_237 = tpu.memref_slice %arg2[%run_scoped3A, %dma_wait3A_236] : memref<2x320000xi32, #tpu.memory_space<hbm>> -> memref<1x2560xi32, #tpu.memory_space<hbm>>
        %dma_wait3A_238 = tpu.memref_squeeze %dma_wait3A_237 : memref<1x2560xi32, #tpu.memory_space<hbm>> -> memref<2560xi32, #tpu.memory_space<hbm>>
        tpu.wait_dma2 semaphore(%run_scoped3A_220 : memref<!tpu.dma_semaphore, #tpu.memory_space<semaphore_mem>>) src(%dma_wait3A_238 : memref<2560xi32, #tpu.memory_space<hbm>>) dst(%dma_wait3A_235 : memref<2560xi32, #tpu.memory_space<vmem>>)
        tpu.yield
      }) : () -> ()
    } else {
    }
    %barrier3A = arith.constant 0 : index
    tpu.barrier barrier_id(%barrier3A)
    %lt3A_203 = arith.constant 31 : i32
    %lt3A_204 = arith.cmpi slt, %add3A, %lt3A_203 : i32
    %jit3A = arith.constant 80 : i32
    %jit3A_205 = arith.constant 20 : i32
    %select_n3A = arith.select %lt3A_204, %jit3A, %jit3A_205 : i32
    %while3A = arith.constant 0 : i32
    %while3A_206 = arith.constant 0 : i32
    %while3A_207 = arith.subi %select_n3A, %while3A_206 : i32
    %while3A_208 = arith.addi %while3A_206, %while3A_207 : i32
    %while3A_209 = arith.constant 1 : i32
    %while3A_210 = arith.divsi %while3A_207, %while3A_209 : i32
    %while3A_211 = arith.muli %while3A_210, %while3A_209 : i32
    %while3A_212 = arith.addi %while3A_206, %while3A_211 : i32
    %while3A_213 = arith.constant 1 : i32
    scf.for %while3A_220 = %while3A_206 to %while3A_212 step %while3A_213  : i32 {
      %mul3A_221 = arith.constant 128 : i32
      %mul3A_222 = arith.muli %while3A_220, %mul3A_221 : i32
      "tpu.region"() ({
        %run_scoped3A = tpu.sem_alloc : memref<!tpu.dma_semaphore, #tpu.memory_space<semaphore_mem>>
        %dma_start3A = tpu.memref_slice %arg4[%mul3A_222] : memref<10240xi32, #tpu.memory_space<vmem>> -> memref<128xi32, #tpu.memory_space<vmem>>
        %dma_start3A_223 = arith.constant 0 : i32
        %dma_start3A_224 = tpu.memref_slice %arg7[%dma_start3A_223] : memref<10240xf32, #tpu.memory_space<vmem_shared>> -> memref<10240xf32, #tpu.memory_space<vmem_shared>>
        tpu.enqueue_indirect_dma source(%arg5 : memref<128xf32, #tpu.memory_space<vmem>>) target(%dma_start3A_224 : memref<10240xf32, #tpu.memory_space<vmem_shared>>) offsets(%dma_start3A : memref<128xi32, #tpu.memory_space<vmem>>) semaphore(%run_scoped3A : memref<!tpu.dma_semaphore, #tpu.memory_space<semaphore_mem>>) {add = true}
        %dma_wait3A = tpu.memref_slice %arg4[%mul3A_222] : memref<10240xi32, #tpu.memory_space<vmem>> -> memref<128xi32, #tpu.memory_space<vmem>>
        %dma_wait3A_225 = arith.constant 0 : i32
        %dma_wait3A_226 = tpu.memref_slice %arg7[%dma_wait3A_225] : memref<10240xf32, #tpu.memory_space<vmem_shared>> -> memref<10240xf32, #tpu.memory_space<vmem_shared>>
        tpu.wait_indirect_dma semaphore(%run_scoped3A : memref<!tpu.dma_semaphore, #tpu.memory_space<semaphore_mem>>) src(%arg5 : memref<128xf32, #tpu.memory_space<vmem>>) dst(%dma_wait3A_226 : memref<10240xf32, #tpu.memory_space<vmem_shared>>)
        tpu.yield
      }) : () -> ()
    }
    %while3A_214 = arith.constant 1 : i32
    scf.for %while3A_220 = %while3A_212 to %while3A_208 step %while3A_214  : i32 {
      %mul3A_221 = arith.constant 128 : i32
      %mul3A_222 = arith.muli %while3A_220, %mul3A_221 : i32
      "tpu.region"() ({
        %run_scoped3A = tpu.sem_alloc : memref<!tpu.dma_semaphore, #tpu.memory_space<semaphore_mem>>
        %dma_start3A = tpu.memref_slice %arg4[%mul3A_222] : memref<10240xi32, #tpu.memory_space<vmem>> -> memref<128xi32, #tpu.memory_space<vmem>>
        %dma_start3A_223 = arith.constant 0 : i32
        %dma_start3A_224 = tpu.memref_slice %arg7[%dma_start3A_223] : memref<10240xf32, #tpu.memory_space<vmem_shared>> -> memref<10240xf32, #tpu.memory_space<vmem_shared>>
        tpu.enqueue_indirect_dma source(%arg5 : memref<128xf32, #tpu.memory_space<vmem>>) target(%dma_start3A_224 : memref<10240xf32, #tpu.memory_space<vmem_shared>>) offsets(%dma_start3A : memref<128xi32, #tpu.memory_space<vmem>>) semaphore(%run_scoped3A : memref<!tpu.dma_semaphore, #tpu.memory_space<semaphore_mem>>) {add = true}
        %dma_wait3A = tpu.memref_slice %arg4[%mul3A_222] : memref<10240xi32, #tpu.memory_space<vmem>> -> memref<128xi32, #tpu.memory_space<vmem>>
        %dma_wait3A_225 = arith.constant 0 : i32
        %dma_wait3A_226 = tpu.memref_slice %arg7[%dma_wait3A_225] : memref<10240xf32, #tpu.memory_space<vmem_shared>> -> memref<10240xf32, #tpu.memory_space<vmem_shared>>
        tpu.wait_indirect_dma semaphore(%run_scoped3A : memref<!tpu.dma_semaphore, #tpu.memory_space<semaphore_mem>>) src(%arg5 : memref<128xf32, #tpu.memory_space<vmem>>) dst(%dma_wait3A_226 : memref<10240xf32, #tpu.memory_space<vmem_shared>>)
        tpu.yield
      }) : () -> ()
    }
    %barrier3A_215 = arith.constant 0 : index
    tpu.barrier barrier_id(%barrier3A_215)
    %mul3A_216 = arith.constant 640 : i32
    %mul3A_217 = arith.muli %arg1, %mul3A_216 : i32
    %mul3A_218 = arith.constant 640 : i32
    %mul3A_219 = arith.muli %arg1, %mul3A_218 : i32
    "tpu.region"() ({
      %run_scoped3A = tpu.sem_alloc : memref<!tpu.dma_semaphore, #tpu.memory_space<semaphore_mem>>
      %dma_start3A = tpu.memref_slice %arg3[%arg0, %mul3A_219] : memref<2x10240xf32, #tpu.memory_space<hbm>> -> memref<1x640xf32, #tpu.memory_space<hbm>>
      %dma_start3A_220 = tpu.memref_squeeze %dma_start3A : memref<1x640xf32, #tpu.memory_space<hbm>> -> memref<640xf32, #tpu.memory_space<hbm>>
      %dma_start3A_221 = tpu.memref_slice %arg7[%mul3A_217] : memref<10240xf32, #tpu.memory_space<vmem_shared>> -> memref<640xf32, #tpu.memory_space<vmem_shared>>
      tpu.enqueue_dma source(%dma_start3A_221 : memref<640xf32, #tpu.memory_space<vmem_shared>>) target(%dma_start3A_220 : memref<640xf32, #tpu.memory_space<hbm>>) target_semaphore(%run_scoped3A : memref<!tpu.dma_semaphore, #tpu.memory_space<semaphore_mem>>)
      %dma_wait3A = tpu.memref_slice %arg3[%arg0, %mul3A_219] : memref<2x10240xf32, #tpu.memory_space<hbm>> -> memref<1x640xf32, #tpu.memory_space<hbm>>
      %dma_wait3A_222 = tpu.memref_squeeze %dma_wait3A : memref<1x640xf32, #tpu.memory_space<hbm>> -> memref<640xf32, #tpu.memory_space<hbm>>
      %dma_wait3A_223 = tpu.memref_slice %arg7[%mul3A_217] : memref<10240xf32, #tpu.memory_space<vmem_shared>> -> memref<640xf32, #tpu.memory_space<vmem_shared>>
      tpu.wait_dma2 semaphore(%run_scoped3A : memref<!tpu.dma_semaphore, #tpu.memory_space<semaphore_mem>>) src(%dma_wait3A_223 : memref<640xf32, #tpu.memory_space<vmem_shared>>) dst(%dma_wait3A_222 : memref<640xf32, #tpu.memory_space<hbm>>)
      tpu.yield
    }) : () -> ()
    return
  }
}

module attributes {stable_mosaic.version = 14 : i64} {
  func.func @_dense_body(%arg0: memref<10000x128xf32, #tpu.memory_space<vmem>>, %arg1: memref<128x128xf32, #tpu.memory_space<vmem>>, %arg2: memref<1x128xf32, #tpu.memory_space<vmem>>, %arg3: memref<2x10240xf32, #tpu.memory_space<vmem>>, %arg4: memref<10000x128xf32, #tpu.memory_space<vmem>>) attributes {dimension_semantics = [], scalar_prefetch = 0 : i64, scratch_operands = 0 : i64, tpu.core_type = #tpu.core_type<tc>} {
    %get3A = arith.constant 0 : index
    %get3A_0 = arith.constant 0 : index
    %get3A_1 = vector.load %arg0[%get3A, %get3A_0] : memref<10000x128xf32, #tpu.memory_space<vmem>>, vector<10000x128xf32>
    %get3A_2 = arith.constant 0 : index
    %get3A_3 = arith.constant 0 : index
    %get3A_4 = vector.load %arg1[%get3A_2, %get3A_3] : memref<128x128xf32, #tpu.memory_space<vmem>>, vector<128x128xf32>
    %dot_general3A = arith.constant dense<0.000000e+00> : vector<10000x128xf32>
    %dot_general3A_5 = tpu.matmul %get3A_1, %get3A_4, %dot_general3A {dimension_numbers = #tpu.dot_dimension_numbers<[1], [0], [0], [1], [0, 0, 1, 1], [], []>, transpose_lhs_hint = false} : vector<10000x128xf32>, vector<128x128xf32>, vector<10000x128xf32> -> vector<10000x128xf32>
    %get3A_6 = arith.constant 0 : index
    %get3A_7 = arith.constant 0 : index
    %get3A_8 = vector.load %arg2[%get3A_6, %get3A_7] : memref<1x128xf32, #tpu.memory_space<vmem>>, vector<1x128xf32>
    %add3A = vector.broadcast %get3A_8 : vector<1x128xf32> to vector<10000x128xf32>
    %add3A_9 = arith.addf %dot_general3A_5, %add3A : vector<10000x128xf32>
    %max3A = arith.constant 0.000000e+00 : f32
    %max3A_10 = vector.broadcast %max3A : f32 to vector<10000x128xf32>
    %max3A_11 = arith.maximumf %add3A_9, %max3A_10 : vector<10000x128xf32>
    %get3A_12 = arith.constant 0 : index
    %get3A_13 = arith.constant 0 : index
    %get3A_14 = vector.load %arg3[%get3A_12, %get3A_13] : memref<2x10240xf32, #tpu.memory_space<vmem>>, vector<2x10240xf32>
    %reduce_sum3A = arith.constant dense<0.000000e+00> : vector<10240xf32>
    %reduce_sum3A_15 = vector.multi_reduction <add>, %get3A_14, %reduce_sum3A [0] : vector<2x10240xf32> to vector<10240xf32>
    %reshape3A = vector.shape_cast %reduce_sum3A_15 : vector<10240xf32> to vector<10240x1xf32>
    %slice3A = vector.extract_strided_slice %reshape3A {offsets = [0, 0], sizes = [10000, 1], strides = [1, 1]} : vector<10240x1xf32> to vector<10000x1xf32>
    %gt3A = arith.constant 0.000000e+00 : f32
    %gt3A_16 = vector.broadcast %gt3A : f32 to vector<10000x1xf32>
    %gt3A_17 = arith.cmpf ogt, %slice3A, %gt3A_16 : vector<10000x1xf32>
    %jit3A = arith.constant 0.000000e+00 : f32
    %broadcast_in_dim3A = vector.shape_cast %gt3A_17 : vector<10000x1xi1> to vector<10000x1xi1>
    %broadcast_in_dim3A_18 = vector.broadcast %broadcast_in_dim3A : vector<10000x1xi1> to vector<10000x128xi1>
    %broadcast_in_dim3A_19 = vector.broadcast %jit3A : f32 to vector<10000x128xf32>
    %select_n3A = arith.select %broadcast_in_dim3A_18, %max3A_11, %broadcast_in_dim3A_19 : vector<10000x128xi1>, vector<10000x128xf32>
    %swap3A = arith.constant 0 : index
    %swap3A_20 = arith.constant 0 : index
    %swap3A_21 = vector.load %arg4[%swap3A, %swap3A_20] : memref<10000x128xf32, #tpu.memory_space<vmem>>, vector<10000x128xf32>
    tpu.vector_store %arg4[%swap3A, %swap3A_20], %select_n3A {strides = array<i32>} : memref<10000x128xf32, #tpu.memory_space<vmem>>, vector<10000x128xf32>,
    return
  }
}

</mosaic_0001>

<sc_bundles>
// kernel: kernel.4.cloned.1.call-start
scs
__scs_entry_jumppad:
0x0: {  	(pc) =	sbr.rel $0x88, $3  }
0x1: {  	(tag) =	ssettag $0x0;
	lr =	simm.s32 $0x1  }
0x2: {  	[smem:$0x3F9D] =	sst lr;
	_ =	strace $0xD0000000  }
0x3: {  	_ = 	snop  }
0x4: {  	_ = 	snop  }
0x5: {  	_ = 	snop  }
0x6: {  	_ = 	snop  }
0x7: {  	_ = 	snop  }
__scs_overlays_trampoline_lowered:
0x8: {  	[smem:$0x3FAC] =	sst s0  }
0x9: {  	[smem:$0x3FAD] =	sst s1  }
0xa: {  	[smem:$0x3FAE] =	sst s2  }
0xb: {  	[smem:$0x3FAF] =	sst s3  }
0xc: {  	[smem:$0x3FB0] =	sst s4  }
0xd: {  	[smem:$0x3FB1] =	sst s5  }
0xe: {  	[smem:$0x3FB2] =	sst s6  }
0xf: {  	[smem:$0x3FB3] =	sst s7  }
0x10: {  	[smem:$0x3FB4] =	sst s8  }
0x11: {  	[smem:$0x3FB5] =	sst s9;
	s0 =	simm.s32 @!p0 $0x0  }
0x12: {  	s1 =	sld [smem:$0x3F9B];
	s0 =	simm.s32 @p0 $0x1  }
0x13: {  	[smem:$0x3FB6] =	sst s0;
	s0 =	simm.s32 @!p1 $0x0  }
0x14: {  	s2 =	sld [smem:$0x3F9A];
	s0 =	simm.s32 @p1 $0x1  }
0x15: {  	[smem:$0x3FB7] =	sst s0;
	s0 =	simm.s32 @!p2 $0x0  }
0x16: {  	s3 =	sld [smem:$0x3FDB];
	s0 =	simm.s32 @p2 $0x1  }
0x17: {  	s4 =	simm.s32 $0x1BF5;
	[smem:$0x3FB9] =	sst s0  }
0x18: {  	s0 =	sld [smem:$0x3F9C];
	_ =	swait.ge [sflag:s4], $0x0  }
0x19: {  	s7 =	sld [smem:$0x3F9D]  }
0x1a: {  	s8 =	sadd.s32 $0xFFFFE003, lr  }
0x1b: {  	s9 =	sadd.s32 $0xFFFFFEF7, lr;
	s5 =	simm.s32 $0xFFFFFFFF;
	p2 =	slt.u32 s8, $0xFFFFF086  }
0x1c: {  	p1 =	slt.u32 s9, $0xF7A;
	s5 =	simm.s32 @!p2 $0x0  }
0x1d: {  	s5 =	simm.s32 @p1 $0x1;
	p0 =	seq.s32 s7, s2  }
0x1e: {  	s7 =	smul.u32 @!p0 $0xF7A, s2;
	p2 =	seq.s32 @!p0 s5, $0x0  }
0x1f: {  	s9 =	smul.u32 $0xF7A, s1;
	s8 =	simm.s32 @!p0 $0x1BF5;
	p2 =	por !p2, p0  }
0x20: {  	[sflag:s8] =	ssyncset.s32 @!p0 $0xFFFFF086;
	s6 =	sadd.s32 @!p0 s3, s7;
	s7 =	simm.s32 @!p0 $0x108  }
0x21: {  	s3 =	sadd.s32 s3, s9;
	s6 =	sadd.s32 @!p0 $0x88, s6;
	s7 =	simm.s32 @p2 $0x1082  }
0x22: {  	[simem:s7], [sflag:s8] =	dma.local @!p0 [hbm:s6], $0xF7A  }
0x23: {  	s9 =	sor.u32 $0xD0000000, s2;
	s6 =	simm.s32 $0x108;
	_ =	swait.ge @!p0 [sflag:s8], $0x0  }
0x24: {  	s3 =	sadd.s32 $0x88, s3;
	s6 =	simm.s32 @!p1 $0x1082;
	[sflag:s4] =	ssyncset.s32 $0xFFFFF086  }
0x25: {  	[simem:s6], [sflag:s4] =	dma.local [hbm:s3], $0xF7A  }
0x26: {  	[smem:$0x3F9D] =	sst s1;
	(tag) =	ssettag s2;
	_ =	strace s9  }
0x27: {  	s1 =	sld [smem:$0x3FAD]  }
0x28: {  	s2 =	sld [smem:$0x3FAE]  }
0x29: {  	s4 =	sld [smem:$0x3FB0]  }
0x2a: {  	p0 =	seq.s32 s5, $0x0;
	s5 =	sld [smem:$0x3FB1]  }
0x2b: {  	s6 =	sld [smem:$0x3FB2]  }
0x2c: {  	s7 =	sld [smem:$0x3FB3]  }
0x2d: {  	s3 =	simm.s32 $0x108;
	s8 =	sld [smem:$0x3FB4]  }
0x2e: {  	s3 =	simm.s32 @!p0 $0x1082;
	s9 =	sld [smem:$0x3FB5]  }
0x2f: {  	lr =	sadd.s32 s0, s3;
	s0 =	sld [smem:$0x3FAC]  }
0x30: {  	s3 =	sld [smem:$0x3FAF]  }
0x31: {  	[smem:$0x3FB8] =	sst s10  }
0x32: {  	s10 =	sld [smem:$0x3FB6];
	_ =	sdelay $0x3  }
0x33: {  	p0 =	seq.s32 s10, $0x1;
	s10 =	sld [smem:$0x3FB8];
	_ =	sdelay $0x3  }
0x34: {  	[smem:$0x3FB8] =	sst s10  }
0x35: {  	s10 =	sld [smem:$0x3FB7];
	_ =	sdelay $0x3  }
0x36: {  	p1 =	seq.s32 s10, $0x1;
	s10 =	sld [smem:$0x3FB8];
	_ =	sdelay $0x3  }
0x37: {  	[smem:$0x3FB8] =	sst s10  }
0x38: {  	s10 =	sld [smem:$0x3FB9]  }
0x39: {  	_ = 	snop;
	(pc) =	sbr.ind lr, $3  }
0x3a: {  	_ = 	snop  }
0x3b: {  	_ = 	snop  }
0x3c: {  	p2 =	seq.s32 s10, $0x1;
	s10 =	sld [smem:$0x3FB8]  }
0x3d: {  	_ =	shalt  }
0x3e: {  	_ =	shalt  }
0x3f: {  	_ =	shalt  }
0x40: {  	_ =	shalt  }
0x41: {  	_ =	shalt  }
0x42: {  	_ =	shalt  }
0x43: {  	_ =	shalt  }
0x44: {  	_ =	shalt  }
0x45: {  	_ =	shalt  }
0x46: {  	_ =	shalt  }
0x47: {  	_ =	shalt  }
0x48: {  	_ =	shalt  }
0x49: {  	_ =	shalt  }
0x4a: {  	_ =	shalt  }
0x4b: {  	_ =	shalt  }
0x4c: {  	_ =	shalt  }
0x4d: {  	_ =	shalt  }
0x4e: {  	_ =	shalt  }
0x4f: {  	_ =	shalt  }
0x50: {  	_ =	shalt  }
0x51: {  	_ =	shalt  }
0x52: {  	_ =	shalt  }
0x53: {  	_ =	shalt  }
0x54: {  	_ =	shalt  }
0x55: {  	_ =	shalt  }
0x56: {  	_ =	shalt  }
0x57: {  	_ =	shalt  }
0x58: {  	_ =	shalt  }
0x59: {  	_ =	shalt  }
0x5a: {  	_ =	shalt  }
0x5b: {  	_ =	shalt  }
0x5c: {  	_ =	shalt  }
0x5d: {  	_ =	shalt  }
0x5e: {  	_ =	shalt  }
0x5f: {  	_ =	shalt  }
0x60: {  	_ =	shalt  }
0x61: {  	_ =	shalt  }
0x62: {  	_ =	shalt  }
0x63: {  	_ =	shalt  }
0x64: {  	_ =	shalt  }
0x65: {  	_ =	shalt  }
0x66: {  	_ =	shalt  }
0x67: {  	_ =	shalt  }
0x68: {  	_ =	shalt  }
0x69: {  	_ =	shalt  }
0x6a: {  	_ =	shalt  }
0x6b: {  	_ =	shalt  }
0x6c: {  	_ =	shalt  }
0x6d: {  	_ =	shalt  }
0x6e: {  	_ =	shalt  }
0x6f: {  	_ =	shalt  }
0x70: {  	_ =	shalt  }
0x71: {  	_ =	shalt  }
0x72: {  	_ =	shalt  }
0x73: {  	_ =	shalt  }
0x74: {  	_ =	shalt  }
0x75: {  	_ =	shalt  }
0x76: {  	_ =	shalt  }
0x77: {  	_ =	shalt  }
0x78: {  	_ =	shalt  }
0x79: {  	_ =	shalt  }
0x7a: {  	_ =	shalt  }
0x7b: {  	_ =	shalt  }
0x7c: {  	_ =	shalt  }
0x7d: {  	_ =	shalt  }
0x7e: {  	_ =	shalt  }
0x7f: {  	_ =	shalt  }
0x80: {  	_ =	shalt  }
0x81: {  	_ =	shalt  }
0x82: {  	_ =	shalt  }
0x83: {  	_ =	shalt  }
0x84: {  	_ =	shalt  }
0x85: {  	_ =	shalt  }
0x86: {  	_ =	shalt  }
0x87: {  	_ =	shalt  }
.Lfunc_end0:
.L_simem_size_0:
called_computation_lowered:
.L_overlay_start_0:
0x88: {  	s2 =	sld [smem:$0x3FD9]  }
0x89: {  	s3 =	sld [smem:$0x3FFE];
	_ =	sdelay $0x1  }
0x8a: {  	s1 =	srdreg.scid  }
0x8b: {  	s0 =	sand.u32 $0x1, s1  }
0x8c: {  	s18 =	sshll.u32 s0, $0xA;
	s2 =	sadd.s32 s3, s2  }
0x8d: {  	s2 =	sadd.s32 s2, s18  }
0x8e: {  	[smem:$0x3FC4] =	sst s2  }
0x8f: {  	_ = 	snop  }
0x90: {  	s2 =	sld [smem:$0x3FC8]  }
0x91: {  	s19 =	sld [smem:$0x3FD0];
	(tm) =	ssettm $0x1  }
0x92: {  	s4 =	sld [smem:$0x3FFB];
	_ =	sdelay $0x3  }
0x93: {  	_ =	strace s4  }
0x94: {  	s4 =	sld [smem:$0x3FFC];
	_ =	sdelay $0x3  }
0x95: {  	_ =	strace s4  }
0x96: {  	s4 =	sld [smem:$0x3FFD];
	_ =	sdelay $0x3  }
0x97: {  	_ =	strace s4  }
0x98: {  	_ =	strace $0x8FFFFFFF  }
0x99: {  	s20 =	sld [smem:$0x3FDB];
	_ =	sdelay $0x1  }
0x9a: {  	s5 =	simm.s32 $_scs_section_size  }
0x9b: {  	s6 =	simm.s32 $_size__tile_overlayer_lowered;
	s7 =	simm.s32 $_tile_overlayer_lowered  }
0x9c: {  	s23 =	simm.s32 $0x1BFF;
	s22 =	sshll.u32 s7, $0x1;
	s4 =	sadd.s32 s5, s20  }
0x9d: {  	s8 =	simm.s32 $0x0;
	s21 =	sshll.u32 s6, $0x1;
	s6 =	sadd.s32 s22, s4  }
0x9e: {  	[timem:s8], [sflag:s23] =	dma.local [hbm:s6], s21  }
0x9f: {  	_ =	swait.ge [sflag:s23], s21  }
0xa0: {  	s5 =	ssub.s32 $0x0, s21;
	[sflag:s23] =	ssyncset.done $0x0  }
0xa1: {  	[sflag:s23] =	ssyncadd.s32 s5;
	_ =	sdelay $0x1  }
0xa2: {  	s24 =	simm.s32 $0x1B8B  }
0xa3: {  	_ =	swait.ge [sflag:s24], $0x1  }
0xa4: {  	[sflag:s24] =	ssyncset.done $0x0  }
0xa5: {  	s25 =	simm.s32 $0x1B8E;
	[sflag:s24] =	ssyncadd.s32 $0xFFFFFFFF  }
0xa6: {  	s26 =	simm.s32 $execute0_lowered;
	[smem:$0x3FD2] =	sst s25  }
0xa7: {  	s5 =	sshll.u32 s26, $0x1;
	_ =	strace $0x80000046;
	[dreg:$0x1] =	wrdreg $0xFFFFFFFF  }
0xa8: {  	s28 =	simm.s32 $_size_execute0_lowered;
	s4 =	sadd.s32 s4, s5;
	[dreg:$0x0] =	wrdreg $0x0  }
0xa9: {  	s5 =	sshll.u32 s28, $0x1;
	[dreg:$0x2] =	wrdreg s4  }
0xaa: {  	[dreg:$0x3] =	wrdreg s5  }
0xab: {  	[dreg:$0x4] =	wrdreg $0xC0  }
0xac: {  	_ =	task [dreg:s8], $0x5FFFF  }
0xad: {  	[dreg:$0x1] =	wrdreg $0xFFFFFFFF  }
0xae: {  	[dreg:$0x0] =	wrdreg $0x60  }
0xaf: {  	[dreg:$0x2] =	wrdreg s2  }
0xb0: {  	[dreg:$0x3] =	wrdreg s19  }
0xb1: {  	[dreg:$0x4] =	wrdreg $0x2B000  }
0xb2: {  	[dreg:$0x5] =	wrdreg $0x9  }
0xb3: {  	_ =	task.clear_ibuf [dreg:s8], $0x6FFFF;
	_ =	strace $0x90000046  }
0xb4: {  	s29 =	simm.s32 $0x9;
	_ =	strace $0x80000048  }
0xb5: {  	_ =	swait.ge [sflag:s29], $0x1  }
0xb6: {  	[sflag:s29] =	ssyncadd.s32 $0xFFFFFFFF  }
0xb7: {  	_ =	strace $0x90000048  }
0xb8: {  	_ =	sfence  }
0xb9: {  	s30 =	sld [smem:$0x0];
	_ =	sdelay $0x2  }
0xba: {  	s31 =	sshll.u32 s1, $0xD;
	s1 =	sshrl.u32 s1, $0x2  }
0xbb: {  	s3 =	sand.u32 $0x4000, s31;
	s1 =	sadd.s32 s1, s30  }
0xbc: {  	s0 =	sor.u32 s3, s0;
	s1 =	sshll.u32 s1, $0x11  }
0xbd: {  	s0 =	sor.u32 s1, s0  }
0xbe: {  	s0 =	sadd.s32 $0x8F2B, s0  }
0xbf: {  	[sflag:s0] =	ssyncadd.remote.s32 $0x1  }
0xc0: {  	_ =	sfence.sel $0xFFFF  }
0xc1: {  	[dreg:$0x0] =	wrdreg $0xFFFFFFFF;
	(pc) =	sbr.abs _section_cstart, $3  }
0xc2: {  	[dreg:$0x1] =	wrdreg $0xFFFFFFFF  }
0xc3: {  	_ =	task.clear_ibuf [dreg:s8], $0x2FFFF;
	_ =	strace $0x9FFFFFFF  }
0xc4: {  	(tm) =	ssettm $0x7FFFFFFF  }
0xc5: {  	_ =	shalt  }
tec
execute0_lowered:
.L_overlay_start_1:
0x0: {  	(tag) =	ssettag $0x1  }
0x1: {  	s6 =	rddreg [dreg:$0x0]  }
0x2: {  	s7 =	rddreg [dreg:$0x1]  }
0x3: {  	s1 =	rddreg [dreg:$0x2]  }
0x4: {  	s0 =	rddreg [dreg:$0x3];
	s3 =	simm.s32 $0x0;
	s4 =	srdreg.scid  }
0x5: {  	s2 =	stileid.u32;
	s15 =	simm.s32 $0x20;
	s16 =	simm.s32 $0x10  }
0x6: {  	s17 =	simm.s32 $0x0;
	[smem:$0x7FF] =	sst s3;
	s8 =	smul.u32 $0xA00, s2  }
0x7: {  	s4 =	sand.u32 $0x1, s4;
	s29 =	smul.u32 $0x500, s2;
	s13 =	sshll.u32 s2, $0x6  }
0x8: {  	_ =	strace $0x80000047;
	s5 =	sshll.u32 s4, $0x4;
	s9 =	ssub.s32 $0x2, s4  }
0x9: {  	s4 =	sshll.u32 s4, $0x7;
	s13 =	sor.u32 $0x1C01, s13;
	s10 =	sor.u32 s2, s5  }
0xa: {  	s11 =	sshrl.u32 s9, $0x1;
	s8 =	sshrl.u32 s8, $0x2;
	s5 =	sor.u32 s4, s29  }
0xb: {  	s12 =	smul.u32 $0xA00, s10;
	s9 =	ssub.s32 s9, s11;
	s4 =	sadd.s32 s8, s1  }
0xc: {  	s31 =	sshrl.u32 s5, $0x3;
	p0 =	seq.s32 s10, $0x1F;
	s10 =	simm.s32 $0x1  }
0xd: {  	s11 =	simm.s32 $0x80;
	s7 =	sadd.s32 s7, s31;
	s8 =	smax.u32 s9, $0x1  }
0xe: {  	s9 =	simm.s32 $0x2880;
	s14 =	sshrl.u32 s4, $0x3;
	s30 =	sadd.s32 s12, s6  }
0xf: {  	v0 =	vimm.f32 $1.000000000e+00;
	v1 =	vimm.f32 $0.0e+00;
	s6 =	sadd.s32 $0x13610, s6;
	s12 =	simm.s32 $0x2800;
	s5 =	sadd.s32 $0x10, s30  }
.LBB2_1:
0x10: {  	[tilespmem:$0x2800] =	vst v0  }
0x11: {  	[tilespmem:$0x2810] =	vst v0  }
0x12: {  	[tilespmem:$0x2820] =	vst v0  }
0x13: {  	[tilespmem:$0x2830] =	vst v0  }
0x14: {  	[tilespmem:$0x2840] =	vst v0  }
0x15: {  	[tilespmem:$0x2850] =	vst v0  }
0x16: {  	[tilespmem:$0x2860] =	vst v0  }
0x17: {  	[tilespmem:$0x2870] =	vst v0  }
0x18: {  	[tilespmem:$0x2880] =	vst v1  }
0x19: {  	[tilespmem:$0x2890] =	vst v1  }
0x1a: {  	[tilespmem:$0x28A0] =	vst v1  }
0x1b: {  	[tilespmem:$0x28B0] =	vst v1  }
0x1c: {  	[tilespmem:$0x28C0] =	vst v1  }
0x1d: {  	[tilespmem:$0x28D0] =	vst v1  }
0x1e: {  	[tilespmem:$0x28E0] =	vst v1  }
0x1f: {  	[tilespmem:$0x28F0] =	vst v1  }
0x20: {  	[tilespmem:$0x2900] =	vst v1  }
0x21: {  	[tilespmem:$0x2910] =	vst v1  }
0x22: {  	[tilespmem:$0x2920] =	vst v1  }
0x23: {  	[tilespmem:$0x2930] =	vst v1  }
0x24: {  	[tilespmem:$0x2940] =	vst v1  }
0x25: {  	[tilespmem:$0x2950] =	vst v1  }
0x26: {  	[tilespmem:$0x2960] =	vst v1  }
0x27: {  	[tilespmem:$0x2970] =	vst v1  }
0x28: {  	[tilespmem:$0x2980] =	vst v1  }
0x29: {  	[tilespmem:$0x2990] =	vst v1  }
0x2a: {  	[tilespmem:$0x29A0] =	vst v1  }
0x2b: {  	[tilespmem:$0x29B0] =	vst v1  }
0x2c: {  	[tilespmem:$0x29C0] =	vst v1  }
0x2d: {  	[tilespmem:$0x29D0] =	vst v1  }
0x2e: {  	[tilespmem:$0x29E0] =	vst v1  }
0x2f: {  	[tilespmem:$0x29F0] =	vst v1  }
0x30: {  	[tilespmem:$0x2A00] =	vst v1  }
0x31: {  	[tilespmem:$0x2A10] =	vst v1  }
0x32: {  	[tilespmem:$0x2A20] =	vst v1  }
0x33: {  	[tilespmem:$0x2A30] =	vst v1  }
0x34: {  	[tilespmem:$0x2A40] =	vst v1  }
0x35: {  	[tilespmem:$0x2A50] =	vst v1  }
0x36: {  	[tilespmem:$0x2A60] =	vst v1  }
0x37: {  	[tilespmem:$0x2A70] =	vst v1  }
0x38: {  	[tilespmem:$0x2A80] =	vst v1  }
0x39: {  	[tilespmem:$0x2A90] =	vst v1  }
0x3a: {  	[tilespmem:$0x2AA0] =	vst v1  }
0x3b: {  	[tilespmem:$0x2AB0] =	vst v1  }
0x3c: {  	[tilespmem:$0x2AC0] =	vst v1  }
0x3d: {  	[tilespmem:$0x2AD0] =	vst v1  }
0x3e: {  	[tilespmem:$0x2AE0] =	vst v1  }
0x3f: {  	[tilespmem:$0x2AF0] =	vst v1  }
0x40: {  	[spmem:s4] =	stream.linear.scatter [tilespmem:s9], [sflag:$0x1], $0x280, $0x38;
	[tilespmem:$0x2D80] =	vst v63  }
0x41: {  	_ =	swait.ge [sflag:s10], $0x280  }
0x42: {  	s18 =	simm.s32 @p0 $0x80;
	[sflag:s10] =	ssyncset.done $0x0  }
0x43: {  	s19 =	simm.s32 @p0 $0x100;
	s20 =	simm.s32 @p0 $0x0;
	[sflag:s10] =	ssyncadd.s32 $0xFFFFFD80  }
0x44: {  	[tilespmem:s20], [sflag:$0x1] =	stream.strided.gather @p0 [hbm4b:s6+s18], $0xA00, s19, s18, $0x38;
	[tilespmem:$0x2D80] =	vst v63  }
0x45: {  	s18 =	simm.s32 @p0 $0x1  }
0x46: {  	_ =	swait.ge @p0 [sflag:s18], $0xA00  }
0x47: {  	s19 =	simm.s32 @!p0 $0x100;
	[sflag:s18] =	ssyncset.done @p0 $0x0  }
0x48: {  	s20 =	simm.s32 @!p0 $0x0;
	[sflag:s18] =	ssyncadd.s32 @p0 $0xFFFFF600;
	s18 =	simm.s32 @!p0 $0x80  }
0x49: {  	[tilespmem:s20], [sflag:$0x1] =	stream.strided.gather @!p0 [hbm4b:s5+s18], $0x2800, s19, s18, $0x38;
	[tilespmem:$0x2D80] =	vst v63  }
0x4a: {  	s18 =	simm.s32 @!p0 $0x1  }
0x4b: {  	_ =	swait.ge @!p0 [sflag:s18], $0x2800  }
0x4c: {  	[sflag:s18] =	ssyncset.done @!p0 $0x0  }
0x4d: {  	[sflag:s18] =	ssyncadd.s32 @!p0 $0xFFFFD800;
	s18 =	simm.s32 @!p0 $0x50  }
0x4e: {  	s18 =	simm.s32 @p0 $0x14  }
0x4f: {  	p1 =	sne.s32 s18, $0x1  }
.Ltmp0:
0x50: {  	_ = 	snop;
	(pc) =	sbr.rel @!p1 .LBB2_3-.Ltmp0, $4  }
0x51: {  	[bflag:$0x0] =	sbarrier.arrive $0xFFFF  }
0x52: {  	[spmem:s1] =	stream.indirect.scatter.add.f32 [tilespmem:s12], [sflag:$0x1], $0x1, s3, s11, $0xb8;
	[tilespmem:$0x2D80] =	vst v63  }
0x53: {  	_ =	swait.ge [sflag:s10], $0x80  }
0x54: {  	s19 =	simm.s32 $0x0;
	s18 =	sadd.s32 $0xFFFFFFFF, s18;
	[sflag:s10] =	ssyncset.done $0x0  }
.LBB2_2:
0x55: {  	p1 =	sne.s32 s18, $0x1;
	[sflag:s10] =	ssyncadd.s32 $0xFFFFFF80;
	s19 =	sadd.s32 $0x80, s19  }
.Ltmp1:
0x56: {  	s18 =	sadd.s32 $0xFFFFFFFF, s18;
	(pc) =	sbr.rel @p1 .LBB2_2-.Ltmp1, $4  }
0x57: {  	_ = 	snop  }
0x58: {  	[spmem:s1] =	stream.indirect.scatter.add.f32 [tilespmem:s12], [sflag:$0x1], $0x1, s19, s11, $0xb8;
	[tilespmem:$0x2D80] =	vst v63  }
0x59: {  	_ =	swait.ge [sflag:s10], $0x80  }
0x5a: {  	[sflag:s10] =	ssyncset.done $0x0  }
.LBB2_3:
0x5b: {  	s17 =	sadd.s32 $0x1, s17  }
0x5c: {  	[sflag:s10] =	ssyncadd.s32 $0xFFFFFF80;
	p1 =	sne.s32 s17, s8  }
.Ltmp2:
0x5d: {  	[bflag:$0x0] =	sbarrier.arrive $0xFFFF;
	(pc) =	sbr.rel @p1 .LBB2_1-.Ltmp2, $4  }
0x5e: {  	[hbm:s7@s15], [sflag:s13] =	dma.strided [spmem:s14@s16], $0x50, s10, $0x10   }
0x5f: {  	_ =	swait.ge [sflag:s10], $0x50  }
0x60: {  	[sflag:s10] =	ssyncset.done $0x0  }
0x61: {  	[sflag:s10] =	ssyncadd.s32 $0xFFFFFFB0  }
0x62: {  	_ =	sfence.sel $0x180000  }
0x63: {  	[bflag:$0x0] =	sbarrier.arrive $0xFFFF  }
0x64: {  	p0 =	sne.s32 s2, $0x0;
	_ =	strace $0x90000047  }
0x65: {  	s0 =	sadd.s32 @!p0 $0x100000, s0;
	[bflag:$0x2] =	sbarrier.arrive $0xFFFF  }
0x66: {  	[sflag:s0] =	ssyncadd.tile.s32 @!p0 $0x1;
	_ =	shalt  }
.Lfunc_end2:
_tile_overlayer_lowered:
.L_overlay_start_2:
0x67: {  	(tag) =	ssettag $0x2  }
0x68: {  	s0 =	rddreg [dreg:$0x0];
	s2 =	stileid.u32  }
0x69: {  	s1 =	rddreg [dreg:$0x1];
	p0 =	sne.s32 s2, $0x0  }
0x6a: {  	s3 =	rddreg [dreg:$0x2];
	[bflag:$0x3] =	sbarrier.arrive $0xFFFF;
	s2 =	simm.s32 @!p0 $0x1C01  }
0x6b: {  	[timem:s3], [sflag:s2] =	dma.local @!p0 [hbm:s0], s1  }
0x6c: {  	s0 =	simm.s32 @!p0 $0x1  }
0x6d: {  	_ =	swait.ge @!p0 [sflag:s0], s1  }
0x6e: {  	s1 =	ssub.s32 @!p0 $0x0, s1;
	[sflag:s0] =	ssyncset.done @!p0 $0x0  }
0x6f: {  	[sflag:s0] =	ssyncadd.s32 @!p0 s1  }
0x70: {  	[bflag:$0x3] =	sbarrier.arrive $0xFFFF  }
0x71: {  	_ =	shalt  }

</sc_bundles>
